<compile_context>
chip_gen: v7x
topology: tpu7x:2x2x1
jax: 0.10.2.dev20260603
libtpu: 0.0.44.dev20260713+nightly
codegen_flags: <defaults>
</compile_context>

<pallas_src>
import numpy as np
import jax
import jax.numpy as jnp
from jax.experimental import pallas as pl
from jax.experimental.pallas import tpu as pltpu

_B, _S, _F = 4096, 50, 100
_N = _B * _S * _F
_LANES = 128
_ROWS = _N // _LANES
_RB = 1000

_THR = np.uint32(2516583 << 9)

_KS = (np.uint32(0), np.uint32(1), np.uint32(0x1BD11BDB))
_ROTS = ((13, 15, 26, 6), (17, 29, 16, 24))


def _rotl(v, r):
    return (v << np.uint32(r)) | (v >> np.uint32(32 - r))


def _threefry_bits(j):
    x0 = jnp.zeros_like(j) + _KS[0]
    x1 = j + _KS[1]
    for i in range(5):
        for r in _ROTS[i % 2]:
            x0 = x0 + x1
            x1 = _rotl(x1, r)
            x1 = x1 ^ x0
        x0 = x0 + _KS[(i + 1) % 3]
        x1 = x1 + np.uint32((int(_KS[(i + 2) % 3]) + i + 1) & 0xFFFFFFFF)
    return x0 ^ x1


def _body(x_ref, fv_ref, out_ref, mask_ref):
    i = pl.program_id(0)
    base = jnp.uint32(i) * jnp.uint32(_RB * _LANES)
    rr = jax.lax.broadcasted_iota(jnp.int32, (_RB, _LANES), 0).astype(jnp.uint32)
    ll = jax.lax.broadcasted_iota(jnp.int32, (_RB, _LANES), 1).astype(jnp.uint32)
    j = base + rr * jnp.uint32(_LANES) + ll
    m = _threefry_bits(j) < _THR
    out_ref[...] = jnp.where(m, fv_ref[...], x_ref[...])
    mask_ref[...] = m.astype(jnp.float32)


def _featvals():
    k2 = jax.random.key(2)
    k3 = jax.random.key(3)
    vals = [
        jax.random.randint(jax.random.fold_in(k2, f), (), 0, 10).astype(jnp.float32)
        for f in range(26)
    ]
    vals += [
        jax.random.normal(jax.random.fold_in(k3, f), (), dtype=jnp.float32)
        for f in range(26, 100)
    ]
    return jnp.stack(vals)


_FV_IDX = (np.arange(_RB * _LANES) % _F).reshape(_RB, _LANES)


def kernel(x):
    xr = x.reshape(_ROWS, _LANES)
    fv = _featvals()[_FV_IDX]
    out, mask = pl.pallas_call(
        _body,
        grid=(_ROWS // _RB,),
        in_specs=[
            pl.BlockSpec((_RB, _LANES), lambda i: (i, 0)),
            pl.BlockSpec((_RB, _LANES), lambda i: (0, 0)),
        ],
        out_specs=[
            pl.BlockSpec((_RB, _LANES), lambda i: (i, 0)),
            pl.BlockSpec((_RB, _LANES), lambda i: (i, 0)),
        ],
        out_shape=[jax.ShapeDtypeStruct((_ROWS, _LANES), jnp.float32)] * 2,
        compiler_params=pltpu.CompilerParams(dimension_semantics=("arbitrary",)),
    )(xr, fv)
    return out.reshape(_B, _S, _F), mask.reshape(_B, _S, _F)

# --- scband reference (transcript-rebuilt; emitter-appended) ---
"""Pipeline reference for scband-vimecorruption-39565238731498 (READ-ONLY COPY).

The authoritative reference and input builder live on the scoring server;
editing this copy changes nothing except your own understanding.
"""

import jax, jax.numpy as jnp
import numpy as np

CORRUPTION_RATE = 0.3
CAT_IDX = list(range(26))
NUM_IDX = list(range(26, 100))
VOCAB_DEFAULT = 10  # module default when categorical_vocab_sizes is empty
NUM_MEAN, NUM_STD = 0.0, 1.0  # module default when numerical_distributions is empty


def setup_inputs(seed: int = 0) -> dict:
    key = jax.random.key(seed)
    x = jax.random.normal(key, (4096, 50, 100), dtype=jnp.float32)
    return {"x": x}


def reference(x):
    B, S, F = x.shape
    kmask = jax.random.key(1)
    # torch.bernoulli(full(..., p))
    mask = jax.random.bernoulli(kmask, CORRUPTION_RATE, (B, S, F)).astype(jnp.float32)
    x_corrupted = x
    # NOTE: the torch code calls randint/normal with shape mask_positions.sum().shape == (),
    # i.e. a SINGLE scalar random value per feature broadcast to all masked positions.
    # We replicate that behavior faithfully.
    for feat_idx in CAT_IDX:
        if feat_idx < F:
            k = jax.random.fold_in(jax.random.key(2), feat_idx)
            rc = jax.random.randint(k, (), 0, VOCAB_DEFAULT).astype(jnp.float32)
            m = mask[:, :, feat_idx] > 0.5
            col = jnp.where(m, rc, x_corrupted[:, :, feat_idx])
            x_corrupted = x_corrupted.at[:, :, feat_idx].set(col)
    for feat_idx in NUM_IDX:
        if feat_idx < F:
            k = jax.random.fold_in(jax.random.key(3), feat_idx)
            rv = NUM_MEAN + NUM_STD * jax.random.normal(k, (), dtype=jnp.float32)
            m = mask[:, :, feat_idx] > 0.5
            col = jnp.where(m, rv, x_corrupted[:, :, feat_idx])
            x_corrupted = x_corrupted.at[:, :, feat_idx].set(col)
    return (x_corrupted, mask)

if __name__ == "__main__":
    import jax
    _d = setup_inputs()
    print(jax.jit(kernel)(*tuple(_d.values())))

</pallas_src>

<mosaic_0001>
module attributes {stable_mosaic.version = 14 : i64} {
  func.func @_body(%arg0: i32, %arg1: memref<1000x128xf32, #tpu.memory_space<vmem>>, %arg2: memref<1000x128xf32, #tpu.memory_space<vmem>>, %arg3: memref<1000x128xf32, #tpu.memory_space<vmem>>, %arg4: memref<1000x128xf32, #tpu.memory_space<vmem>>) attributes {dimension_semantics = [#tpu.dimension_semantics<arbitrary>], iteration_bounds = array<i64: 160>, scalar_prefetch = 0 : i64, scratch_operands = 0 : i64, tpu.core_type = #tpu.core_type<tc>, window_params = [{transform_indices = @transform_0, window_bounds = array<i64: 1000, 128>}, {pipeline_mode = #tpu.pipeline_mode<synchronous>, transform_indices = @transform_1, window_bounds = array<i64: 1000, 128>}, {transform_indices = @transform_2, window_bounds = array<i64: 1000, 128>}, {transform_indices = @transform_3, window_bounds = array<i64: 1000, 128>}]} {
    %mul3A = arith.constant 128000 : i32
    %mul3A_0 = arith.muli %arg0, %mul3A : i32
    %iota3A = tpu.iota {dimensions = array<i32: 0>} : vector<1000x128xi32>
    %iota3A_1 = tpu.iota {dimensions = array<i32: 1>} : vector<1000x128xi32>
    %mul3A_2 = arith.constant 128 : i32
    %mul3A_3 = vector.broadcast %mul3A_2 : i32 to vector<1000x128xi32>
    %mul3A_4 = arith.muli %iota3A, %mul3A_3 : vector<1000x128xi32>
    %add3A = vector.broadcast %mul3A_0 : i32 to vector<1000x128xi32>
    %add3A_5 = arith.addi %add3A, %mul3A_4 : vector<1000x128xi32>
    %add3A_6 = arith.addi %add3A_5, %iota3A_1 : vector<1000x128xi32>
    %broadcast_in_dim3A = arith.constant 0 : i32
    %broadcast_in_dim3A_7 = vector.broadcast %broadcast_in_dim3A : i32 to vector<1000x128xi32>
    %add3A_8 = arith.constant 0 : i32
    %add3A_9 = vector.broadcast %add3A_8 : i32 to vector<1000x128xi32>
    %add3A_10 = arith.addi %broadcast_in_dim3A_7, %add3A_9 : vector<1000x128xi32>
    %add3A_11 = arith.constant 1 : i32
    %add3A_12 = vector.broadcast %add3A_11 : i32 to vector<1000x128xi32>
    %add3A_13 = arith.addi %add3A_6, %add3A_12 : vector<1000x128xi32>
    %add3A_14 = arith.addi %add3A_10, %add3A_13 : vector<1000x128xi32>
    %shift_left3A = arith.constant 13 : i32
    %shift_left3A_15 = vector.broadcast %shift_left3A : i32 to vector<1000x128xi32>
    %shift_left3A_16 = arith.shli %add3A_13, %shift_left3A_15 : vector<1000x128xi32>
    %shift_right_logical3A = arith.constant 19 : i32
    %shift_right_logical3A_17 = vector.broadcast %shift_right_logical3A : i32 to vector<1000x128xi32>
    %shift_right_logical3A_18 = arith.shrui %add3A_13, %shift_right_logical3A_17 : vector<1000x128xi32>
    %or3A = arith.ori %shift_left3A_16, %shift_right_logical3A_18 : vector<1000x128xi32>
    %xor3A = arith.xori %or3A, %add3A_14 : vector<1000x128xi32>
    %add3A_19 = arith.addi %add3A_14, %xor3A : vector<1000x128xi32>
    %shift_left3A_20 = arith.constant 15 : i32
    %shift_left3A_21 = vector.broadcast %shift_left3A_20 : i32 to vector<1000x128xi32>
    %shift_left3A_22 = arith.shli %xor3A, %shift_left3A_21 : vector<1000x128xi32>
    %shift_right_logical3A_23 = arith.constant 17 : i32
    %shift_right_logical3A_24 = vector.broadcast %shift_right_logical3A_23 : i32 to vector<1000x128xi32>
    %shift_right_logical3A_25 = arith.shrui %xor3A, %shift_right_logical3A_24 : vector<1000x128xi32>
    %or3A_26 = arith.ori %shift_left3A_22, %shift_right_logical3A_25 : vector<1000x128xi32>
    %xor3A_27 = arith.xori %or3A_26, %add3A_19 : vector<1000x128xi32>
    %add3A_28 = arith.addi %add3A_19, %xor3A_27 : vector<1000x128xi32>
    %shift_left3A_29 = arith.constant 26 : i32
    %shift_left3A_30 = vector.broadcast %shift_left3A_29 : i32 to vector<1000x128xi32>
    %shift_left3A_31 = arith.shli %xor3A_27, %shift_left3A_30 : vector<1000x128xi32>
    %shift_right_logical3A_32 = arith.constant 6 : i32
    %shift_right_logical3A_33 = vector.broadcast %shift_right_logical3A_32 : i32 to vector<1000x128xi32>
    %shift_right_logical3A_34 = arith.shrui %xor3A_27, %shift_right_logical3A_33 : vector<1000x128xi32>
    %or3A_35 = arith.ori %shift_left3A_31, %shift_right_logical3A_34 : vector<1000x128xi32>
    %xor3A_36 = arith.xori %or3A_35, %add3A_28 : vector<1000x128xi32>
    %add3A_37 = arith.addi %add3A_28, %xor3A_36 : vector<1000x128xi32>
    %shift_left3A_38 = arith.constant 6 : i32
    %shift_left3A_39 = vector.broadcast %shift_left3A_38 : i32 to vector<1000x128xi32>
    %shift_left3A_40 = arith.shli %xor3A_36, %shift_left3A_39 : vector<1000x128xi32>
    %shift_right_logical3A_41 = arith.constant 26 : i32
    %shift_right_logical3A_42 = vector.broadcast %shift_right_logical3A_41 : i32 to vector<1000x128xi32>
    %shift_right_logical3A_43 = arith.shrui %xor3A_36, %shift_right_logical3A_42 : vector<1000x128xi32>
    %or3A_44 = arith.ori %shift_left3A_40, %shift_right_logical3A_43 : vector<1000x128xi32>
    %xor3A_45 = arith.xori %or3A_44, %add3A_37 : vector<1000x128xi32>
    %add3A_46 = arith.constant 1 : i32
    %add3A_47 = vector.broadcast %add3A_46 : i32 to vector<1000x128xi32>
    %add3A_48 = arith.addi %add3A_37, %add3A_47 : vector<1000x128xi32>
    %add3A_49 = arith.constant 466688988 : i32
    %add3A_50 = vector.broadcast %add3A_49 : i32 to vector<1000x128xi32>
    %add3A_51 = arith.addi %xor3A_45, %add3A_50 : vector<1000x128xi32>
    %add3A_52 = arith.addi %add3A_48, %add3A_51 : vector<1000x128xi32>
    %shift_left3A_53 = arith.constant 17 : i32
    %shift_left3A_54 = vector.broadcast %shift_left3A_53 : i32 to vector<1000x128xi32>
    %shift_left3A_55 = arith.shli %add3A_51, %shift_left3A_54 : vector<1000x128xi32>
    %shift_right_logical3A_56 = arith.constant 15 : i32
    %shift_right_logical3A_57 = vector.broadcast %shift_right_logical3A_56 : i32 to vector<1000x128xi32>
    %shift_right_logical3A_58 = arith.shrui %add3A_51, %shift_right_logical3A_57 : vector<1000x128xi32>
    %or3A_59 = arith.ori %shift_left3A_55, %shift_right_logical3A_58 : vector<1000x128xi32>
    %xor3A_60 = arith.xori %or3A_59, %add3A_52 : vector<1000x128xi32>
    %add3A_61 = arith.addi %add3A_52, %xor3A_60 : vector<1000x128xi32>
    %shift_left3A_62 = arith.constant 29 : i32
    %shift_left3A_63 = vector.broadcast %shift_left3A_62 : i32 to vector<1000x128xi32>
    %shift_left3A_64 = arith.shli %xor3A_60, %shift_left3A_63 : vector<1000x128xi32>
    %shift_right_logical3A_65 = arith.constant 3 : i32
    %shift_right_logical3A_66 = vector.broadcast %shift_right_logical3A_65 : i32 to vector<1000x128xi32>
    %shift_right_logical3A_67 = arith.shrui %xor3A_60, %shift_right_logical3A_66 : vector<1000x128xi32>
    %or3A_68 = arith.ori %shift_left3A_64, %shift_right_logical3A_67 : vector<1000x128xi32>
    %xor3A_69 = arith.xori %or3A_68, %add3A_61 : vector<1000x128xi32>
    %add3A_70 = arith.addi %add3A_61, %xor3A_69 : vector<1000x128xi32>
    %shift_left3A_71 = arith.constant 16 : i32
    %shift_left3A_72 = vector.broadcast %shift_left3A_71 : i32 to vector<1000x128xi32>
    %shift_left3A_73 = arith.shli %xor3A_69, %shift_left3A_72 : vector<1000x128xi32>
    %shift_right_logical3A_74 = arith.constant 16 : i32
    %shift_right_logical3A_75 = vector.broadcast %shift_right_logical3A_74 : i32 to vector<1000x128xi32>
    %shift_right_logical3A_76 = arith.shrui %xor3A_69, %shift_right_logical3A_75 : vector<1000x128xi32>
    %or3A_77 = arith.ori %shift_left3A_73, %shift_right_logical3A_76 : vector<1000x128xi32>
    %xor3A_78 = arith.xori %or3A_77, %add3A_70 : vector<1000x128xi32>
    %add3A_79 = arith.addi %add3A_70, %xor3A_78 : vector<1000x128xi32>
    %shift_left3A_80 = arith.constant 24 : i32
    %shift_left3A_81 = vector.broadcast %shift_left3A_80 : i32 to vector<1000x128xi32>
    %shift_left3A_82 = arith.shli %xor3A_78, %shift_left3A_81 : vector<1000x128xi32>
    %shift_right_logical3A_83 = arith.constant 8 : i32
    %shift_right_logical3A_84 = vector.broadcast %shift_right_logical3A_83 : i32 to vector<1000x128xi32>
    %shift_right_logical3A_85 = arith.shrui %xor3A_78, %shift_right_logical3A_84 : vector<1000x128xi32>
    %or3A_86 = arith.ori %shift_left3A_82, %shift_right_logical3A_85 : vector<1000x128xi32>
    %xor3A_87 = arith.xori %or3A_86, %add3A_79 : vector<1000x128xi32>
    %add3A_88 = arith.constant 466688987 : i32
    %add3A_89 = vector.broadcast %add3A_88 : i32 to vector<1000x128xi32>
    %add3A_90 = arith.addi %add3A_79, %add3A_89 : vector<1000x128xi32>
    %add3A_91 = arith.constant 2 : i32
    %add3A_92 = vector.broadcast %add3A_91 : i32 to vector<1000x128xi32>
    %add3A_93 = arith.addi %xor3A_87, %add3A_92 : vector<1000x128xi32>
    %add3A_94 = arith.addi %add3A_90, %add3A_93 : vector<1000x128xi32>
    %shift_left3A_95 = arith.constant 13 : i32
    %shift_left3A_96 = vector.broadcast %shift_left3A_95 : i32 to vector<1000x128xi32>
    %shift_left3A_97 = arith.shli %add3A_93, %shift_left3A_96 : vector<1000x128xi32>
    %shift_right_logical3A_98 = arith.constant 19 : i32
    %shift_right_logical3A_99 = vector.broadcast %shift_right_logical3A_98 : i32 to vector<1000x128xi32>
    %shift_right_logical3A_100 = arith.shrui %add3A_93, %shift_right_logical3A_99 : vector<1000x128xi32>
    %or3A_101 = arith.ori %shift_left3A_97, %shift_right_logical3A_100 : vector<1000x128xi32>
    %xor3A_102 = arith.xori %or3A_101, %add3A_94 : vector<1000x128xi32>
    %add3A_103 = arith.addi %add3A_94, %xor3A_102 : vector<1000x128xi32>
    %shift_left3A_104 = arith.constant 15 : i32
    %shift_left3A_105 = vector.broadcast %shift_left3A_104 : i32 to vector<1000x128xi32>
    %shift_left3A_106 = arith.shli %xor3A_102, %shift_left3A_105 : vector<1000x128xi32>
    %shift_right_logical3A_107 = arith.constant 17 : i32
    %shift_right_logical3A_108 = vector.broadcast %shift_right_logical3A_107 : i32 to vector<1000x128xi32>
    %shift_right_logical3A_109 = arith.shrui %xor3A_102, %shift_right_logical3A_108 : vector<1000x128xi32>
    %or3A_110 = arith.ori %shift_left3A_106, %shift_right_logical3A_109 : vector<1000x128xi32>
    %xor3A_111 = arith.xori %or3A_110, %add3A_103 : vector<1000x128xi32>
    %add3A_112 = arith.addi %add3A_103, %xor3A_111 : vector<1000x128xi32>
    %shift_left3A_113 = arith.constant 26 : i32
    %shift_left3A_114 = vector.broadcast %shift_left3A_113 : i32 to vector<1000x128xi32>
    %shift_left3A_115 = arith.shli %xor3A_111, %shift_left3A_114 : vector<1000x128xi32>
    %shift_right_logical3A_116 = arith.constant 6 : i32
    %shift_right_logical3A_117 = vector.broadcast %shift_right_logical3A_116 : i32 to vector<1000x128xi32>
    %shift_right_logical3A_118 = arith.shrui %xor3A_111, %shift_right_logical3A_117 : vector<1000x128xi32>
    %or3A_119 = arith.ori %shift_left3A_115, %shift_right_logical3A_118 : vector<1000x128xi32>
    %xor3A_120 = arith.xori %or3A_119, %add3A_112 : vector<1000x128xi32>
    %add3A_121 = arith.addi %add3A_112, %xor3A_120 : vector<1000x128xi32>
    %shift_left3A_122 = arith.constant 6 : i32
    %shift_left3A_123 = vector.broadcast %shift_left3A_122 : i32 to vector<1000x128xi32>
    %shift_left3A_124 = arith.shli %xor3A_120, %shift_left3A_123 : vector<1000x128xi32>
    %shift_right_logical3A_125 = arith.constant 26 : i32
    %shift_right_logical3A_126 = vector.broadcast %shift_right_logical3A_125 : i32 to vector<1000x128xi32>
    %shift_right_logical3A_127 = arith.shrui %xor3A_120, %shift_right_logical3A_126 : vector<1000x128xi32>
    %or3A_128 = arith.ori %shift_left3A_124, %shift_right_logical3A_127 : vector<1000x128xi32>
    %xor3A_129 = arith.xori %or3A_128, %add3A_121 : vector<1000x128xi32>
    %add3A_130 = arith.constant 0 : i32
    %add3A_131 = vector.broadcast %add3A_130 : i32 to vector<1000x128xi32>
    %add3A_132 = arith.addi %add3A_121, %add3A_131 : vector<1000x128xi32>
    %add3A_133 = arith.constant 4 : i32
    %add3A_134 = vector.broadcast %add3A_133 : i32 to vector<1000x128xi32>
    %add3A_135 = arith.addi %xor3A_129, %add3A_134 : vector<1000x128xi32>
    %add3A_136 = arith.addi %add3A_132, %add3A_135 : vector<1000x128xi32>
    %shift_left3A_137 = arith.constant 17 : i32
    %shift_left3A_138 = vector.broadcast %shift_left3A_137 : i32 to vector<1000x128xi32>
    %shift_left3A_139 = arith.shli %add3A_135, %shift_left3A_138 : vector<1000x128xi32>
    %shift_right_logical3A_140 = arith.constant 15 : i32
    %shift_right_logical3A_141 = vector.broadcast %shift_right_logical3A_140 : i32 to vector<1000x128xi32>
    %shift_right_logical3A_142 = arith.shrui %add3A_135, %shift_right_logical3A_141 : vector<1000x128xi32>
    %or3A_143 = arith.ori %shift_left3A_139, %shift_right_logical3A_142 : vector<1000x128xi32>
    %xor3A_144 = arith.xori %or3A_143, %add3A_136 : vector<1000x128xi32>
    %add3A_145 = arith.addi %add3A_136, %xor3A_144 : vector<1000x128xi32>
    %shift_left3A_146 = arith.constant 29 : i32
    %shift_left3A_147 = vector.broadcast %shift_left3A_146 : i32 to vector<1000x128xi32>
    %shift_left3A_148 = arith.shli %xor3A_144, %shift_left3A_147 : vector<1000x128xi32>
    %shift_right_logical3A_149 = arith.constant 3 : i32
    %shift_right_logical3A_150 = vector.broadcast %shift_right_logical3A_149 : i32 to vector<1000x128xi32>
    %shift_right_logical3A_151 = arith.shrui %xor3A_144, %shift_right_logical3A_150 : vector<1000x128xi32>
    %or3A_152 = arith.ori %shift_left3A_148, %shift_right_logical3A_151 : vector<1000x128xi32>
    %xor3A_153 = arith.xori %or3A_152, %add3A_145 : vector<1000x128xi32>
    %add3A_154 = arith.addi %add3A_145, %xor3A_153 : vector<1000x128xi32>
    %shift_left3A_155 = arith.constant 16 : i32
    %shift_left3A_156 = vector.broadcast %shift_left3A_155 : i32 to vector<1000x128xi32>
    %shift_left3A_157 = arith.shli %xor3A_153, %shift_left3A_156 : vector<1000x128xi32>
    %shift_right_logical3A_158 = arith.constant 16 : i32
    %shift_right_logical3A_159 = vector.broadcast %shift_right_logical3A_158 : i32 to vector<1000x128xi32>
    %shift_right_logical3A_160 = arith.shrui %xor3A_153, %shift_right_logical3A_159 : vector<1000x128xi32>
    %or3A_161 = arith.ori %shift_left3A_157, %shift_right_logical3A_160 : vector<1000x128xi32>
    %xor3A_162 = arith.xori %or3A_161, %add3A_154 : vector<1000x128xi32>
    %add3A_163 = arith.addi %add3A_154, %xor3A_162 : vector<1000x128xi32>
    %shift_left3A_164 = arith.constant 24 : i32
    %shift_left3A_165 = vector.broadcast %shift_left3A_164 : i32 to vector<1000x128xi32>
    %shift_left3A_166 = arith.shli %xor3A_162, %shift_left3A_165 : vector<1000x128xi32>
    %shift_right_logical3A_167 = arith.constant 8 : i32
    %shift_right_logical3A_168 = vector.broadcast %shift_right_logical3A_167 : i32 to vector<1000x128xi32>
    %shift_right_logical3A_169 = arith.shrui %xor3A_162, %shift_right_logical3A_168 : vector<1000x128xi32>
    %or3A_170 = arith.ori %shift_left3A_166, %shift_right_logical3A_169 : vector<1000x128xi32>
    %xor3A_171 = arith.xori %or3A_170, %add3A_163 : vector<1000x128xi32>
    %add3A_172 = arith.constant 1 : i32
    %add3A_173 = vector.broadcast %add3A_172 : i32 to vector<1000x128xi32>
    %add3A_174 = arith.addi %add3A_163, %add3A_173 : vector<1000x128xi32>
    %add3A_175 = arith.constant 466688991 : i32
    %add3A_176 = vector.broadcast %add3A_175 : i32 to vector<1000x128xi32>
    %add3A_177 = arith.addi %xor3A_171, %add3A_176 : vector<1000x128xi32>
    %add3A_178 = arith.addi %add3A_174, %add3A_177 : vector<1000x128xi32>
    %shift_left3A_179 = arith.constant 13 : i32
    %shift_left3A_180 = vector.broadcast %shift_left3A_179 : i32 to vector<1000x128xi32>
    %shift_left3A_181 = arith.shli %add3A_177, %shift_left3A_180 : vector<1000x128xi32>
    %shift_right_logical3A_182 = arith.constant 19 : i32
    %shift_right_logical3A_183 = vector.broadcast %shift_right_logical3A_182 : i32 to vector<1000x128xi32>
    %shift_right_logical3A_184 = arith.shrui %add3A_177, %shift_right_logical3A_183 : vector<1000x128xi32>
    %or3A_185 = arith.ori %shift_left3A_181, %shift_right_logical3A_184 : vector<1000x128xi32>
    %xor3A_186 = arith.xori %or3A_185, %add3A_178 : vector<1000x128xi32>
    %add3A_187 = arith.addi %add3A_178, %xor3A_186 : vector<1000x128xi32>
    %shift_left3A_188 = arith.constant 15 : i32
    %shift_left3A_189 = vector.broadcast %shift_left3A_188 : i32 to vector<1000x128xi32>
    %shift_left3A_190 = arith.shli %xor3A_186, %shift_left3A_189 : vector<1000x128xi32>
    %shift_right_logical3A_191 = arith.constant 17 : i32
    %shift_right_logical3A_192 = vector.broadcast %shift_right_logical3A_191 : i32 to vector<1000x128xi32>
    %shift_right_logical3A_193 = arith.shrui %xor3A_186, %shift_right_logical3A_192 : vector<1000x128xi32>
    %or3A_194 = arith.ori %shift_left3A_190, %shift_right_logical3A_193 : vector<1000x128xi32>
    %xor3A_195 = arith.xori %or3A_194, %add3A_187 : vector<1000x128xi32>
    %add3A_196 = arith.addi %add3A_187, %xor3A_195 : vector<1000x128xi32>
    %shift_left3A_197 = arith.constant 26 : i32
    %shift_left3A_198 = vector.broadcast %shift_left3A_197 : i32 to vector<1000x128xi32>
    %shift_left3A_199 = arith.shli %xor3A_195, %shift_left3A_198 : vector<1000x128xi32>
    %shift_right_logical3A_200 = arith.constant 6 : i32
    %shift_right_logical3A_201 = vector.broadcast %shift_right_logical3A_200 : i32 to vector<1000x128xi32>
    %shift_right_logical3A_202 = arith.shrui %xor3A_195, %shift_right_logical3A_201 : vector<1000x128xi32>
    %or3A_203 = arith.ori %shift_left3A_199, %shift_right_logical3A_202 : vector<1000x128xi32>
    %xor3A_204 = arith.xori %or3A_203, %add3A_196 : vector<1000x128xi32>
    %add3A_205 = arith.addi %add3A_196, %xor3A_204 : vector<1000x128xi32>
    %shift_left3A_206 = arith.constant 6 : i32
    %shift_left3A_207 = vector.broadcast %shift_left3A_206 : i32 to vector<1000x128xi32>
    %shift_left3A_208 = arith.shli %xor3A_204, %shift_left3A_207 : vector<1000x128xi32>
    %shift_right_logical3A_209 = arith.constant 26 : i32
    %shift_right_logical3A_210 = vector.broadcast %shift_right_logical3A_209 : i32 to vector<1000x128xi32>
    %shift_right_logical3A_211 = arith.shrui %xor3A_204, %shift_right_logical3A_210 : vector<1000x128xi32>
    %or3A_212 = arith.ori %shift_left3A_208, %shift_right_logical3A_211 : vector<1000x128xi32>
    %xor3A_213 = arith.xori %or3A_212, %add3A_205 : vector<1000x128xi32>
    %add3A_214 = arith.constant 466688987 : i32
    %add3A_215 = vector.broadcast %add3A_214 : i32 to vector<1000x128xi32>
    %add3A_216 = arith.addi %add3A_205, %add3A_215 : vector<1000x128xi32>
    %add3A_217 = arith.constant 5 : i32
    %add3A_218 = vector.broadcast %add3A_217 : i32 to vector<1000x128xi32>
    %add3A_219 = arith.addi %xor3A_213, %add3A_218 : vector<1000x128xi32>
    %xor3A_220 = arith.xori %add3A_216, %add3A_219 : vector<1000x128xi32>
    %lt3A = arith.constant 1288490496 : i32
    %lt3A_221 = vector.broadcast %lt3A : i32 to vector<1000x128xi32>
    %lt3A_222 = arith.cmpi ult, %xor3A_220, %lt3A_221 : vector<1000x128xi32>
    %get3A = arith.constant 0 : index
    %get3A_223 = arith.constant 0 : index
    %get3A_224 = vector.load %arg2[%get3A, %get3A_223] : memref<1000x128xf32, #tpu.memory_space<vmem>>, vector<1000x128xf32>
    %get3A_225 = arith.constant 0 : index
    %get3A_226 = arith.constant 0 : index
    %get3A_227 = vector.load %arg1[%get3A_225, %get3A_226] : memref<1000x128xf32, #tpu.memory_space<vmem>>, vector<1000x128xf32>
    %select_n3A = arith.select %lt3A_222, %get3A_224, %get3A_227 : vector<1000x128xi1>, vector<1000x128xf32>
    %swap3A = arith.constant 0 : index
    %swap3A_228 = arith.constant 0 : index
    %swap3A_229 = vector.load %arg3[%swap3A, %swap3A_228] : memref<1000x128xf32, #tpu.memory_space<vmem>>, vector<1000x128xf32>
    tpu.vector_store %arg3[%swap3A, %swap3A_228], %select_n3A {strides = array<i32>} : memref<1000x128xf32, #tpu.memory_space<vmem>>, vector<1000x128xf32>,
    %convert_element_type3A = arith.extui %lt3A_222 : vector<1000x128xi1> to vector<1000x128xi32>
    %convert_element_type3A_230 = arith.sitofp %convert_element_type3A : vector<1000x128xi32> to vector<1000x128xf32>
    %swap3A_231 = arith.constant 0 : index
    %swap3A_232 = arith.constant 0 : index
    %swap3A_233 = vector.load %arg4[%swap3A_231, %swap3A_232] : memref<1000x128xf32, #tpu.memory_space<vmem>>, vector<1000x128xf32>
    tpu.vector_store %arg4[%swap3A_231, %swap3A_232], %convert_element_type3A_230 {strides = array<i32>} : memref<1000x128xf32, #tpu.memory_space<vmem>>, vector<1000x128xf32>,
    return
  }
  func.func @transform_0(%arg0: i32) -> (i32, i32) {
    %c0_i32 = arith.constant 0 : i32
    %c0_i32_0 = arith.constant 0 : i32
    return %arg0, %c0_i32 : i32, i32
  }
  func.func @transform_1(%arg0: i32) -> (i32, i32) {
    %c0_i32 = arith.constant 0 : i32
    %c0_i32_0 = arith.constant 0 : i32
    %c0_i32_1 = arith.constant 0 : i32
    return %c0_i32, %c0_i32_0 : i32, i32
  }
  func.func @transform_2(%arg0: i32) -> (i32, i32) {
    %c0_i32 = arith.constant 0 : i32
    %c0_i32_0 = arith.constant 0 : i32
    return %arg0, %c0_i32 : i32, i32
  }
  func.func @transform_3(%arg0: i32) -> (i32, i32) {
    %c0_i32 = arith.constant 0 : i32
    %c0_i32_0 = arith.constant 0 : i32
    return %arg0, %c0_i32 : i32, i32
  }
}

</mosaic_0001>

<sc_bundles>
// kernel: sparse-core-data-format-call.1.cloned.1.call-start
scs
called_computation.1_lowered:
.L_overlay_start_0:
0x0: {  	s2 =	sld [smem:$0x3FD9]  }
0x1: {  	s3 =	sld [smem:$0x3FFE];
	_ =	sdelay $0x1  }
0x2: {  	s1 =	srdreg.scid  }
0x3: {  	s0 =	sand.u32 $0x1, s1  }
0x4: {  	s15 =	sshll.u32 s0, $0xA;
	s2 =	sadd.s32 s3, s2  }
0x5: {  	s2 =	sadd.s32 s2, s15  }
0x6: {  	[smem:$0x3FC7] =	sst s2  }
0x7: {  	_ = 	snop  }
0x8: {  	s2 =	sld [smem:$0x3FD0];
	_ =	sdelay $0x2  }
0x9: {  	s16 =	simm.s32 $0xB;
	s4 =	simm.s32 $0x10  }
0xa: {  	[smem:s4], [sflag:s16] =	dma.local [hbm:s2], $0x1  }
0xb: {  	_ =	swait.eq [sflag:s16], $0x1  }
0xc: {  	[sflag:s16] =	ssyncset.done $0x0  }
0xd: {  	[sflag:s16] =	ssyncadd.s32 $0xFFFFFFFF  }
0xe: {  	s17 =	sld [smem:$0x10];
	(tm) =	ssettm $0x1  }
0xf: {  	s18 =	sld [smem:$0x3FFB];
	_ =	sdelay $0x3  }
0x10: {  	_ =	strace s18  }
0x11: {  	s3 =	sld [smem:$0x3FFC];
	_ =	sdelay $0x3  }
0x12: {  	_ =	strace s3  }
0x13: {  	s3 =	sld [smem:$0x3FFD];
	_ =	sdelay $0x3  }
0x14: {  	_ =	strace s3  }
0x15: {  	_ =	strace $0x8FFFFFFF  }
0x16: {  	s19 =	sld [smem:$0x3FDB];
	_ =	sdelay $0x1  }
0x17: {  	s20 =	simm.s32 $_scs_section_size  }
0x18: {  	s5 =	simm.s32 $_size__tile_overlayer_lowered;
	s6 =	simm.s32 $_tile_overlayer_lowered  }
0x19: {  	s23 =	simm.s32 $0x1BFF;
	s22 =	sshll.u32 s6, $0x1;
	s3 =	sadd.s32 s20, s19  }
0x1a: {  	s7 =	simm.s32 $0x0;
	s21 =	sshll.u32 s5, $0x1;
	s5 =	sadd.s32 s22, s3  }
0x1b: {  	[timem:s7], [sflag:s23] =	dma.local [hbm:s5], s21  }
0x1c: {  	_ =	swait.ge [sflag:s23], s21  }
0x1d: {  	s4 =	ssub.s32 $0x0, s21;
	[sflag:s23] =	ssyncset.done $0x0  }
0x1e: {  	[sflag:s23] =	ssyncadd.s32 s4;
	_ =	sdelay $0x1  }
0x1f: {  	s24 =	simm.s32 $0x1B8B  }
0x20: {  	_ =	swait.ge [sflag:s24], $0x1  }
0x21: {  	[sflag:s24] =	ssyncset.done $0x0  }
0x22: {  	s26 =	simm.s32 $0x1B8E;
	s25 =	sld [smem:$0x3FFE];
	[sflag:s24] =	ssyncadd.s32 $0xFFFFFFFF  }
0x23: {  	s27 =	simm.s32 $execute0_lowered;
	[smem:$0x3FD2] =	sst s26  }
0x24: {  	s5 =	sshll.u32 s27, $0x1;
	_ =	strace $0x80000046;
	[dreg:$0x1] =	wrdreg $0xFFFFFFFF  }
0x25: {  	s28 =	simm.s32 $_size_execute0_lowered;
	s3 =	sadd.s32 s3, s5;
	[dreg:$0x0] =	wrdreg $0x0  }
0x26: {  	s5 =	sshll.u32 s28, $0x1;
	[dreg:$0x2] =	wrdreg s3  }
0x27: {  	[dreg:$0x3] =	wrdreg s5  }
0x28: {  	[dreg:$0x4] =	wrdreg $0xC0  }
0x29: {  	_ =	task [dreg:s7], $0x5FFFF  }
0x2a: {  	[dreg:$0x1] =	wrdreg $0xFFFFFFFF  }
0x2b: {  	[dreg:$0x0] =	wrdreg $0x60  }
0x2c: {  	[dreg:$0x2] =	wrdreg s25  }
0x2d: {  	[dreg:$0x3] =	wrdreg s17  }
0x2e: {  	[dreg:$0x4] =	wrdreg $0xA  }
0x2f: {  	_ =	task.clear_ibuf [dreg:s7], $0x5FFFF;
	_ =	strace $0x90000046  }
0x30: {  	s29 =	simm.s32 $0xA;
	_ =	strace $0x80000048  }
0x31: {  	_ =	swait.ge [sflag:s29], $0x1  }
0x32: {  	[sflag:s29] =	ssyncadd.s32 $0xFFFFFFFF  }
0x33: {  	_ =	strace $0x90000048  }
0x34: {  	_ =	sfence  }
0x35: {  	s30 =	sld [smem:$0x0];
	_ =	sdelay $0x2  }
0x36: {  	s31 =	sshll.u32 s1, $0xD;
	s1 =	sshrl.u32 s1, $0x2  }
0x37: {  	s3 =	sand.u32 $0x4000, s31;
	s1 =	sadd.s32 s1, s30  }
0x38: {  	s0 =	sor.u32 s3, s0;
	s1 =	sshll.u32 s1, $0x11  }
0x39: {  	s0 =	sor.u32 s1, s0  }
0x3a: {  	s0 =	sadd.s32 $0x8F2B, s0  }
0x3b: {  	[sflag:s0] =	ssyncadd.remote.s32 $0x1  }
0x3c: {  	_ =	sfence.sel $0xFFFF  }
0x3d: {  	[dreg:$0x0] =	wrdreg $0xFFFFFFFF;
	(pc) =	sbr.abs _section_cstart, $3  }
0x3e: {  	[dreg:$0x1] =	wrdreg $0xFFFFFFFF  }
0x3f: {  	_ =	task.clear_ibuf [dreg:s7], $0x2FFFF;
	_ =	strace $0x9FFFFFFF  }
0x40: {  	(tm) =	ssettm $0x7FFFFFFF  }
0x41: {  	_ =	shalt  }
tec
execute0_lowered:
.L_overlay_start_1:
0x0: {  	(tag) =	ssettag $0x1  }
0x1: {  	s0 =	srdreg.scid  }
0x2: {  	s1 =	sshll.u32 s0, $0x4  }
0x3: {  	s6 =	rddreg [dreg:$0x0];
	s0 =	stileid.u32;
	s1 =	sand.u32 $0x10, s1  }
0x4: {  	s3 =	rddreg [dreg:$0x1];
	s1 =	sor.u32 s0, s1  }
0x5: {  	s5 =	simm.s32 $0x1;
	s31 =	simm.s32 $0x2;
	s2 =	sshll.u32 s1, $0x7  }
0x6: {  	s15 =	simm.s32 $0x0;
	s8 =	simm.s32 $0x8000;
	s4 =	ssub.s32 $0x1000, s2  }
0x7: {  	s14 =	simm.s32 $0x0;
	s9 =	simm.s32 $0x0;
	s30 =	sand.u32 $0xF80, s4  }
0x8: {  	s10 =	simm.s32 $0x0;
	s11 =	simm.s32 $0x0;
	p0 =	sne.s32 s30, $0x0  }
.Ltmp0:
0x9: {  	s7 =	sshrl.u32 s4, $0xC;
	s5 =	simm.s32 @!p0 $0x0;
	(pc) =	sbr.rel .LBB1_1-.Ltmp0, $4  }
0xa: {  	s13 =	simm.s32 $0x0;
	s1 =	rddreg [dreg:$0x2];
	s5 =	sadd.s32 s5, s7  }
0xb: {  	_ =	strace $0x80000047;
	s4 =	simm.s32 $0x1;
	s5 =	smul.u32 $0x32, s5  }
0xc: {  	s6 =	sadd.s32 $0x27EA00, s6;
	s12 =	smov.u32 s2;
	[sflag:s4] =	ssyncpa.u1 $0x0  }
0xd: {  	[sflag:s31] =	ssyncpa.u1 $0x0;
	p0 =	por $0x0, $0x0;
	s7 =	sor.u32 $0x1, s5  }
.LBB1_4:
0xe: {  	s20 =	sshra.s32 s20, $0x2;
	s28 =	sshll.u32 s10, $0x3;
	p1 =	sgt.s32 s9, $0x31  }
0xf: {  	s21 =	smov.u32 s9;
	s23 =	sshra.s32 s9, $0x1F;
	s24 =	smov.u32 s10  }
0x10: {  	v5 =	vld [tilespmem:s17+$0xFFFFFFD0];
	[tilespmem:s18+$0x2040 ss:$0x81] =	vst.msk $0xffff, v4;
	s25 =	sshra.s32 s10, $0x1F;
	s26 =	sand.u32 $0x78, s10;
	s19 =	sadd.s32 s20, s19  }
0x11: {  	v58 =	vld [tilespmem:s17+$0xFFFFFFE0];
	[tilespmem:s18+$0x2850 ss:$0x81] =	vst.msk $0xffff, v3;
	s22 =	sshrl.u32 s28, $0xC;
	s21 =	simm.s32 @!p1 $0x31;
	s23 =	sand.u32 s23, s9  }
0x12: {  	v59 =	vld [tilespmem:s17+$0xFFFFFFF0];
	[tilespmem:s18+$0x3060 ss:$0x81] =	vst.msk $0xffff, v2;
	p1 =	sgt.s32 s10, $0xF80;
	s29 =	sand.u32 s25, s10;
	s20 =	sand.u32 $0xC00, s28  }
0x13: {  	v60 =	vld [tilespmem:s17+$0x0];
	[tilespmem:s18+$0x0 ss:$0x81] =	vst.msk $0xffff, v0;
	s28 =	smul.u32 $0xD000, s9;
	s21 =	ssub.s32 s21, s23;
	s24 =	simm.s32 @!p1 $0xF80  }
0x14: {  	v61 =	vld [tilespmem:s17+$0x10];
	s30 =	smulhi.u32 $0x2762763, s22;
	[tilespmem:s19+$0x3870 ss:$0x81] =	vst.msk $0xffff, v1;
	s20 =	sor.u32 s26, s20;
	s31 =	ssub.s32 $0x32, s21  }
0x15: {  	v62 =	vld [tilespmem:s17+$0x20];
	s23 =	ssub.s32 s24, s29;
	s21 =	sadd.s32 $0xFFFFFFCF, s21;
	s25 =	smul.u32 $0x68, s31;
	[tilespmem:s19+$0x810 ss:$0x81] =	vst.msk $0xffff, v5  }
0x16: {  	v63 =	vld [tilespmem:s17+$0xFFFFFFC0];
	s18 =	smul.u32 $0x68, s30;
	p1 =	sgt.s32 s21, $0x0;
	s27 =	sadd.s32 $0xFFFFF080, s23;
	[tilespmem:s19+$0x1020 ss:$0x81] =	vst.msk $0xffff, v58  }
0x17: {  	s17 =	ssub.s32 $0x1000, s23;
	[tilespmem:s19+$0x1830 ss:$0x81] =	vst.msk $0xffff, v59;
	s25 =	simm.s32 @p1 $0x0;
	p1 =	sgt.s32 s27, $0x7F  }
0x18: {  	s29 =	sand.u32 $0x7, s10;
	[tilespmem:s19+$0x2040 ss:$0x81] =	vst.msk $0xffff, v60;
	s18 =	ssub.s32 s22, s18;
	s17 =	simm.s32 @p1 $0x0  }
0x19: {  	s21 =	sadd.s32 s3, s28;
	[tilespmem:s19+$0x2850 ss:$0x81] =	vst.msk $0xffff, v61;
	s18 =	sshll.u32 s18, $0x9;
	s17 =	smul.u32 s17, s25  }
0x1a: {  	s20 =	sshrl.u32 s20, $0x3;
	s30 =	sshll.u32 s29, $0x12;
	[tilespmem:s19+$0x3060 ss:$0x81] =	vst.msk $0xffff, v62;
	s18 =	sadd.s32 s18, s21  }
0x1b: {  	[tilespmem:s19+$0x0 ss:$0x81] =	vst.msk $0xffff, v63;
	s31 =	sor.u32 $0x400, s30;
	s18 =	sadd.s32 s20, s18;
	s17 =	sand.u32 $0x3FFFFFF8, s17  }
0x1c: {  	[hbm4b:s18+s31] =	stream.strided.scatter [tilespmem:s16], [sflag:$0x2], s17, s8, s31, $0x20;
	[tilespmem:$0x10100] =	vst v63  }
.LBB1_5:
0x1d: {  	p1 =	slt.u32 s13, $0x2  }
0x1e: {  	s17 =	smov.u32 s15;
	p2 =	sgt.s32 @!p1 s15, $0x31;
	s16 =	sshra.s32 @!p1 s15, $0x1F  }
0x1f: {  	p3 =	sgt.s32 @!p1 s14, $0xF80;
	s18 =	sshra.s32 @!p1 s14, $0x1F;
	p2 =	por !p2, p1  }
0x20: {  	s15 =	sand.u32 @!p1 s16, s15;
	p3 =	por !p3, p1;
	s16 =	smov.u32 s14  }
0x21: {  	s14 =	sand.u32 @!p1 s18, s14;
	s17 =	simm.s32 @p2 $0x31;
	s16 =	simm.s32 @p3 $0xF80  }
0x22: {  	s18 =	smov.u32 s12;
	s15 =	ssub.s32 @!p1 s17, s15;
	s14 =	ssub.s32 @!p1 s16, s14  }
0x23: {  	s16 =	sadd.s32 @!p1 $0xFFFFFFCF, s15;
	s15 =	ssub.s32 @!p1 $0x32, s15;
	s17 =	sadd.s32 @!p1 $0xFFFFF080, s14  }
0x24: {  	p2 =	sgt.s32 @!p1 s16, $0x0;
	s15 =	smul.u32 @!p1 $0x68, s15;
	p3 =	sgt.s32 @!p1 s17, $0x7F  }
0x25: {  	s14 =	ssub.s32 @!p1 $0x1000, s14;
	p2 =	por !p2, p1;
	p3 =	por !p3, p1  }
0x26: {  	s16 =	sadd.s32 $0x1, s11;
	s15 =	simm.s32 @!p2 $0x0;
	s14 =	simm.s32 @!p3 $0x0  }
0x27: {  	p2 =	sgt.s32 s16, $0x31;
	s14 =	smul.u32 @!p1 s14, s15;
	s15 =	sadd.s32 $0x1000, s12  }
0x28: {  	s18 =	smov.u32 @p2 s15  }
0x29: {  	s16 =	simm.s32 @p2 $0x0;
	p2 =	sgt.s32 s18, $0xFFF  }
0x2a: {  	s18 =	smov.u32 @p2 s2;
	p2 =	sne.s32 s13, s7  }
.Ltmp1:
0x2b: {  	p0 =	por !p0, !p0;
	s17 =	simm.s32 @!p1 $0x2;
	(pc) =	sbr.rel @!p2 .LBB1_6-.Ltmp1, $4  }
0x2c: {  	s15 =	smov.u32 s9;
	s9 =	smov.u32 s11;
	s14 =	sand.u32 @!p1 $0x3FFFFFF8, s14  }
0x2d: {  	s11 =	smov.u32 s16;
	_ =	swait.ge @!p1 [sflag:s17], s14;
	s19 =	ssub.s32 @!p1 $0x0, s14  }
0x2e: {  	s14 =	smov.u32 s10;
	s13 =	sadd.s32 $0x1, s13;
	[sflag:s17] =	ssyncset.done @!p1 $0x0  }
0x2f: {  	s10 =	smov.u32 s12;
	s12 =	smov.u32 s18;
	[sflag:s17] =	ssyncadd.s32 @!p1 s19  }
.LBB1_1:
0x30: {  	p1 =	sge.u32 s13, s5  }
0x31: {  	s16 =	sand.u32 @!p1 $0x1FFFFFF, s11  }
0x32: {  	s17 =	smulhi.u32 @!p1 $0x4924925, s16;
	_ =	sdelay $0x1  }
0x33: {  	s17 =	smul.u32 @!p1 $0x38, s17  }
0x34: {  	s18 =	sxor.u32 @!p1 $0xFFFFFFFF, s13;
	s19 =	smul.u32 @!p1 $0x380, s12  }
0x35: {  	s31 =	sadd.s32 $0xFFFFFFFF, s13;
	s18 =	sshll.u32 @!p1 s18, $0xE;
	s16 =	ssub.s32 @!p1 s16, s17  }
0x36: {  	s17 =	sand.u32 @!p1 $0x4000, s18;
	s18 =	sadd.s32 @!p1 s6, s19;
	s16 =	sshll.u32 @!p1 s16, $0x4  }
0x37: {  	s19 =	simm.s32 @!p1 $0x1C00;
	s16 =	sadd.s32 @!p1 s16, s18;
	s18 =	simm.s32 @!p1 $0x80  }
0x38: {  	[tilespmem:s17], [sflag:$0x1] =	stream.strided.gather @!p1 [hbm4b:s16+s18], $0x4000, s19, s18, $0x38;
	[tilespmem:$0x10100] =	vst v63  }
0x39: {  	p1 =	sge.u32 s31, s5  }
.Ltmp2:
0x3a: {  	_ = 	snop;
	(pc) =	sbr.rel @p1 .LBB1_5-.Ltmp2, $1  }
0x3b: {  	_ =	sdelay $0x3  }
0x3c: {  	s16 =	simm.s32 $0x1  }
0x3d: {  	_ =	swait.ge [sflag:s4], $0x4000;
	s16 =	simm.s32 @!p0 $0x0  }
0x3e: {  	[sflag:s4] =	ssyncset.done $0x0;
	s17 =	sshll.u32 s16, $0xE  }
0x3f: {  	[sflag:s4] =	ssyncadd.s32 $0xFFFFC000;
	s17 =	sor.u32 $0x40, s17  }
0x40: {  	s16 =	smul.u32 $0x10200, s16;
	v0 =	vld [tilespmem:s17+$0x30]  }
0x41: {  	v1 =	vld [tilespmem:s17+$0xFFFFFFD0]  }
0x42: {  	s16 =	sshrl.u32 s16, $0x2;
	v5 =	vld [tilespmem:s17+$0xFFFFFFE0]  }
0x43: {  	v6 =	vld [tilespmem:s17+$0xFFFFFFF0];
	s19 =	sor.u32 $0x8000, s16  }
0x44: {  	s31 =	sand.u32 $0x1, s13;
	v4 =	vld [tilespmem:s17+$0x0];
	s18 =	sadd.s32 $0x0, s19  }
0x45: {  	v3 =	vld [tilespmem:s17+$0x10];
	s16 =	smul.u32 $0x10200, s31;
	[tilespmem:s18+$0x3870 ss:$0x81] =	vst.msk $0xffff, v0  }
0x46: {  	v2 =	vld [tilespmem:s17+$0x20];
	[tilespmem:s18+$0x810 ss:$0x81] =	vst.msk $0xffff, v1  }
0x47: {  	s16 =	sshrl.u32 s16, $0x2;
	v0 =	vld [tilespmem:s17+$0xFFFFFFC0];
	[tilespmem:s18+$0x1020 ss:$0x81] =	vst.msk $0xffff, v5;
	s17 =	sadd.s32 $0x80, s17  }
0x48: {  	s20 =	simm.s32 $0x4;
	s21 =	simm.s32 $0x8;
	s16 =	sor.u32 $0x8000, s16;
	[tilespmem:s18+$0x1830 ss:$0x81] =	vst.msk $0xffff, v6;
	v1 =	vld [tilespmem:s17+$0x30]  }
.LBB1_3:
0x49: {  	p1 =	sne.s32 s21, $0x1FC;
	v5 =	vld [tilespmem:s17+$0xFFFFFFD0];
	[tilespmem:s18+$0x2040 ss:$0x81] =	vst.msk $0xffff, v4  }
0x4a: {  	v6 =	vld [tilespmem:s17+$0xFFFFFFE0];
	[tilespmem:s18+$0x2850 ss:$0x81] =	vst.msk $0xffff, v3  }
0x4b: {  	s22 =	sshra.s32 s20, $0x2;
	s20 =	smov.u32 s21;
	v7 =	vld [tilespmem:s17+$0xFFFFFFF0];
	[tilespmem:s18+$0x3060 ss:$0x81] =	vst.msk $0xffff, v2  }
.Ltmp3:
0x4c: {  	v4 =	vld [tilespmem:s17+$0x0];
	[tilespmem:s18+$0x0 ss:$0x81] =	vst.msk $0xffff, v0;
	s18 =	sadd.s32 s22, s19;
	(pc) =	sbr.rel @p1 .LBB1_3-.Ltmp3, $4  }
0x4d: {  	v3 =	vld [tilespmem:s17+$0x10];
	[tilespmem:s18+$0x3870 ss:$0x81] =	vst.msk $0xffff, v1  }
0x4e: {  	[tilespmem:s18+$0x810 ss:$0x81] =	vst.msk $0xffff, v5;
	v2 =	vld [tilespmem:s17+$0x20]  }
0x4f: {  	v0 =	vld [tilespmem:s17+$0xFFFFFFC0];
	[tilespmem:s18+$0x1020 ss:$0x81] =	vst.msk $0xffff, v6;
	s17 =	sadd.s32 $0x80, s17  }
0x50: {  	s21 =	sadd.s32 $0x4, s21;
	v1 =	vld [tilespmem:s17+$0x30];
	[tilespmem:s18+$0x1830 ss:$0x81] =	vst.msk $0xffff, v7  }
.Ltmp4:
0x51: {  	_ = 	snop;
	(pc) =	sbr.rel .LBB1_4-.Ltmp4, $1  }
0x52: {  	_ =	sdelay $0x3  }
.LBB1_6:
0x53: {  	_ =	sfence.sel $0x180000  }
0x54: {  	s2 =	simm.s32 $0x1;
	[bflag:$0x0] =	sbarrier.arrive $0xFFFF  }
0x55: {  	s31 =	simm.s32 $0x2;
	[sflag:s2] =	ssyncpa.u1 $0x1  }
0x56: {  	[sflag:s31] =	ssyncpa.u1 $0x1  }
0x57: {  	p0 =	sne.s32 s0, $0x0;
	_ =	strace $0x90000047  }
0x58: {  	s0 =	sadd.s32 @!p0 $0x100000, s1;
	[bflag:$0x2] =	sbarrier.arrive $0xFFFF  }
0x59: {  	[sflag:s0] =	ssyncadd.tile.s32 @!p0 $0x1;
	_ =	shalt  }
.Lfunc_end1:
_tile_overlayer_lowered:
.L_overlay_start_2:
0x5a: {  	(tag) =	ssettag $0x2  }
0x5b: {  	s0 =	rddreg [dreg:$0x0];
	s2 =	stileid.u32  }
0x5c: {  	s1 =	rddreg [dreg:$0x1];
	p0 =	sne.s32 s2, $0x0  }
0x5d: {  	s3 =	rddreg [dreg:$0x2];
	[bflag:$0x3] =	sbarrier.arrive $0xFFFF;
	s2 =	simm.s32 @!p0 $0x1C01  }
0x5e: {  	[timem:s3], [sflag:s2] =	dma.local @!p0 [hbm:s0], s1  }
0x5f: {  	s0 =	simm.s32 @!p0 $0x1  }
0x60: {  	_ =	swait.ge @!p0 [sflag:s0], s1  }
0x61: {  	s1 =	ssub.s32 @!p0 $0x0, s1;
	[sflag:s0] =	ssyncset.done @!p0 $0x0  }
0x62: {  	[sflag:s0] =	ssyncadd.s32 @!p0 s1  }
0x63: {  	[bflag:$0x3] =	sbarrier.arrive $0xFFFF  }
0x64: {  	_ =	shalt  }

// kernel: sparse-core-data-format-call.cloned.1.call-start
scs
called_computation_lowered:
.L_overlay_start_0:
0x0: {  	s2 =	sld [smem:$0x3FD9]  }
0x1: {  	s3 =	sld [smem:$0x3FFE];
	_ =	sdelay $0x1  }
0x2: {  	s1 =	srdreg.scid  }
0x3: {  	s0 =	sand.u32 $0x1, s1  }
0x4: {  	s16 =	sshll.u32 s0, $0xA;
	s2 =	sadd.s32 s3, s2  }
0x5: {  	s2 =	sadd.s32 s2, s16  }
0x6: {  	[smem:$0x3FC7] =	sst s2  }
0x7: {  	_ = 	snop  }
0x8: {  	s2 =	sld [smem:$0x3FD0];
	_ =	sdelay $0x2  }
0x9: {  	s17 =	simm.s32 $0xB;
	s4 =	simm.s32 $0x10  }
0xa: {  	[smem:s4], [sflag:s17] =	dma.local [hbm:s2], $0x1  }
0xb: {  	_ =	swait.eq [sflag:s17], $0x1  }
0xc: {  	[sflag:s17] =	ssyncset.done $0x0  }
0xd: {  	[sflag:s17] =	ssyncadd.s32 $0xFFFFFFFF  }
0xe: {  	s18 =	sld [smem:$0x11];
	(tm) =	ssettm $0x1  }
0xf: {  	s19 =	sld [smem:$0x3FFB];
	_ =	sdelay $0x3  }
0x10: {  	_ =	strace s19  }
0x11: {  	s2 =	sld [smem:$0x3FFC];
	_ =	sdelay $0x3  }
0x12: {  	_ =	strace s2  }
0x13: {  	s2 =	sld [smem:$0x3FFD];
	_ =	sdelay $0x3  }
0x14: {  	_ =	strace s2  }
0x15: {  	_ =	strace $0x8FFFFFFF  }
0x16: {  	s20 =	sld [smem:$0x3FDB];
	_ =	sdelay $0x1  }
0x17: {  	s21 =	simm.s32 $_scs_section_size  }
0x18: {  	s5 =	simm.s32 $_size__tile_overlayer_lowered;
	s6 =	simm.s32 $_tile_overlayer_lowered  }
0x19: {  	s7 =	simm.s32 $0x1BFF;
	s22 =	sshll.u32 s6, $0x1;
	s4 =	sadd.s32 s21, s20  }
0x1a: {  	s23 =	simm.s32 $0x0;
	s5 =	sshll.u32 s5, $0x1;
	s6 =	sadd.s32 s22, s4  }
0x1b: {  	[timem:s23], [sflag:s7] =	dma.local [hbm:s6], s5  }
0x1c: {  	_ =	swait.ge [sflag:s7], s5  }
0x1d: {  	s5 =	ssub.s32 $0x0, s5;
	[sflag:s7] =	ssyncset.done $0x0  }
0x1e: {  	[sflag:s7] =	ssyncadd.s32 s5;
	_ =	sdelay $0x1  }
0x1f: {  	s24 =	simm.s32 $0x1B8B  }
0x20: {  	_ =	swait.ge [sflag:s24], $0x1  }
0x21: {  	[sflag:s24] =	ssyncset.done $0x0  }
0x22: {  	[sflag:s24] =	ssyncadd.s32 $0xFFFFFFFF  }
0x23: {  	s5 =	sld [smem:$0x0]  }
0x24: {  	s6 =	sand.u32 $0xFFFFFFFE, s1  }
0x25: {  	p0 =	sne.s32 s1, s6  }
0x26: {  	s6 =	sshll.u32 @p0 s6, $0xE  }
0x27: {  	s6 =	sadd.s32 @p0 $0x11B8D, s6;
	s7 =	sshll.u32 @p0 s5, $0x11  }
0x28: {  	s6 =	sor.u32 @p0 s7, s6  }
0x29: {  	[sflag:s6] =	ssyncadd.remote.s32 @p0 $0x1;
	_ =	sdelay $0x1  }
0x2a: {  	s6 =	simm.s32 @p0 $0x1B8D  }
0x2b: {  	_ =	swait.eq @p0 [sflag:s6], $0x1  }
0x2c: {  	[sflag:s6] =	ssyncadd.s32 @p0 $0xFFFFFFFF  }
0x2d: {  	s7 =	sshll.u32 @!p0 s1, $0xE  }
0x2e: {  	s7 =	sor.u32 @!p0 $0x4000, s7;
	s6 =	simm.s32 @!p0 $0x1B8D  }
0x2f: {  	s5 =	sshll.u32 @!p0 s5, $0x11;
	s7 =	sadd.s32 @!p0 $0x11B8D, s7;
	_ =	swait.eq @!p0 [sflag:s6], $0x1  }
0x30: {  	s5 =	sor.u32 @!p0 s5, s7;
	[sflag:s6] =	ssyncadd.s32 @!p0 $0xFFFFFFFF  }
0x31: {  	s26 =	simm.s32 $0x1B8E;
	s25 =	sld [smem:$0x3FFE];
	[sflag:s5] =	ssyncadd.remote.s32 @!p0 $0x1  }
0x32: {  	s27 =	simm.s32 $execute0_lowered;
	[smem:$0x3FD2] =	sst s26  }
0x33: {  	s6 =	sshll.u32 s27, $0x1;
	_ =	strace $0x80000049;
	[dreg:$0x1] =	wrdreg $0xFFFFFFFF  }
0x34: {  	s28 =	simm.s32 $_size_execute0_lowered;
	s4 =	sadd.s32 s4, s6;
	[dreg:$0x0] =	wrdreg $0x0  }
0x35: {  	s6 =	sshll.u32 s28, $0x1;
	[dreg:$0x2] =	wrdreg s4  }
0x36: {  	[dreg:$0x3] =	wrdreg s6  }
0x37: {  	[dreg:$0x4] =	wrdreg $0xC0  }
0x38: {  	_ =	task [dreg:s23], $0x5FFFF  }
0x39: {  	[dreg:$0x1] =	wrdreg $0xFFFFFFFF  }
0x3a: {  	[dreg:$0x0] =	wrdreg $0x60  }
0x3b: {  	[dreg:$0x2] =	wrdreg s25  }
0x3c: {  	[dreg:$0x3] =	wrdreg s18  }
0x3d: {  	[dreg:$0x4] =	wrdreg $0x9  }
0x3e: {  	_ =	task.clear_ibuf [dreg:s23], $0x5FFFF;
	_ =	strace $0x90000049  }
0x3f: {  	s29 =	simm.s32 $0x9;
	_ =	strace $0x8000004B  }
0x40: {  	_ =	swait.ge [sflag:s29], $0x1  }
0x41: {  	[sflag:s29] =	ssyncadd.s32 $0xFFFFFFFF  }
0x42: {  	_ =	strace $0x9000004B  }
0x43: {  	_ =	sfence  }
0x44: {  	s30 =	sld [smem:$0x0];
	_ =	sdelay $0x2  }
0x45: {  	s31 =	sshll.u32 s1, $0xD;
	s1 =	sshrl.u32 s1, $0x2  }
0x46: {  	s4 =	sand.u32 $0x4000, s31;
	s1 =	sadd.s32 s1, s30  }
0x47: {  	s0 =	sor.u32 s4, s0;
	s1 =	sshll.u32 s1, $0x11  }
0x48: {  	s0 =	sor.u32 s1, s0  }
0x49: {  	s0 =	sadd.s32 $0x8F2B, s0  }
0x4a: {  	[sflag:s0] =	ssyncadd.remote.s32 $0x1  }
0x4b: {  	_ =	sfence.sel $0xFFFF  }
0x4c: {  	[dreg:$0x0] =	wrdreg $0xFFFFFFFF;
	(pc) =	sbr.abs _section_cstart, $3  }
0x4d: {  	[dreg:$0x1] =	wrdreg $0xFFFFFFFF  }
0x4e: {  	_ =	task.clear_ibuf [dreg:s23], $0x2FFFF;
	_ =	strace $0x9FFFFFFF  }
0x4f: {  	(tm) =	ssettm $0x7FFFFFFF  }
tec
execute0_lowered:
.L_overlay_start_1:
0x0: {  	(tag) =	ssettag $0x1  }
0x1: {  	s0 =	srdreg.scid  }
0x2: {  	s1 =	sshll.u32 s0, $0x4  }
0x3: {  	s6 =	rddreg [dreg:$0x0];
	s0 =	stileid.u32;
	s1 =	sand.u32 $0x10, s1  }
0x4: {  	s3 =	rddreg [dreg:$0x1];
	s1 =	sor.u32 s0, s1  }
0x5: {  	s5 =	simm.s32 $0x1;
	s31 =	simm.s32 $0x2;
	s2 =	sshll.u32 s1, $0x7  }
0x6: {  	s15 =	simm.s32 $0x0;
	s8 =	simm.s32 $0x8000;
	s4 =	ssub.s32 $0x1000, s2  }
0x7: {  	s14 =	simm.s32 $0x0;
	s9 =	simm.s32 $0x0;
	s30 =	sand.u32 $0xF80, s4  }
0x8: {  	s10 =	simm.s32 $0x0;
	s11 =	simm.s32 $0x0;
	p0 =	sne.s32 s30, $0x0  }
.Ltmp0:
0x9: {  	s7 =	sshrl.u32 s4, $0xC;
	s5 =	simm.s32 @!p0 $0x0;
	(pc) =	sbr.rel .LBB1_1-.Ltmp0, $4  }
0xa: {  	s13 =	simm.s32 $0x0;
	s1 =	rddreg [dreg:$0x2];
	s5 =	sadd.s32 s5, s7  }
0xb: {  	_ =	strace $0x8000004A;
	s4 =	simm.s32 $0x1;
	s5 =	smul.u32 $0x32, s5  }
0xc: {  	s6 =	sadd.s32 $0x5FEA00, s6;
	s12 =	smov.u32 s2;
	[sflag:s4] =	ssyncpa.u1 $0x0  }
0xd: {  	[sflag:s31] =	ssyncpa.u1 $0x0;
	p0 =	por $0x0, $0x0;
	s7 =	sor.u32 $0x1, s5  }
.LBB1_4:
0xe: {  	s20 =	sshra.s32 s20, $0x2;
	s28 =	sshll.u32 s10, $0x3;
	p1 =	sgt.s32 s9, $0x31  }
0xf: {  	s21 =	smov.u32 s9;
	s23 =	sshra.s32 s9, $0x1F;
	s24 =	smov.u32 s10  }
0x10: {  	v5 =	vld [tilespmem:s17+$0xFFFFFFD0];
	[tilespmem:s18+$0x2040 ss:$0x81] =	vst.msk $0xffff, v4;
	s25 =	sshra.s32 s10, $0x1F;
	s26 =	sand.u32 $0x78, s10;
	s19 =	sadd.s32 s20, s19  }
0x11: {  	v58 =	vld [tilespmem:s17+$0xFFFFFFE0];
	[tilespmem:s18+$0x2850 ss:$0x81] =	vst.msk $0xffff, v3;
	s22 =	sshrl.u32 s28, $0xC;
	s21 =	simm.s32 @!p1 $0x31;
	s23 =	sand.u32 s23, s9  }
0x12: {  	v59 =	vld [tilespmem:s17+$0xFFFFFFF0];
	[tilespmem:s18+$0x3060 ss:$0x81] =	vst.msk $0xffff, v2;
	p1 =	sgt.s32 s10, $0xF80;
	s29 =	sand.u32 s25, s10;
	s20 =	sand.u32 $0xC00, s28  }
0x13: {  	v60 =	vld [tilespmem:s17+$0x0];
	[tilespmem:s18+$0x0 ss:$0x81] =	vst.msk $0xffff, v0;
	s28 =	smul.u32 $0xD000, s9;
	s21 =	ssub.s32 s21, s23;
	s24 =	simm.s32 @!p1 $0xF80  }
0x14: {  	v61 =	vld [tilespmem:s17+$0x10];
	s30 =	smulhi.u32 $0x2762763, s22;
	[tilespmem:s19+$0x3870 ss:$0x81] =	vst.msk $0xffff, v1;
	s20 =	sor.u32 s26, s20;
	s31 =	ssub.s32 $0x32, s21  }
0x15: {  	v62 =	vld [tilespmem:s17+$0x20];
	s23 =	ssub.s32 s24, s29;
	s21 =	sadd.s32 $0xFFFFFFCF, s21;
	s25 =	smul.u32 $0x68, s31;
	[tilespmem:s19+$0x810 ss:$0x81] =	vst.msk $0xffff, v5  }
0x16: {  	v63 =	vld [tilespmem:s17+$0xFFFFFFC0];
	s18 =	smul.u32 $0x68, s30;
	p1 =	sgt.s32 s21, $0x0;
	s27 =	sadd.s32 $0xFFFFF080, s23;
	[tilespmem:s19+$0x1020 ss:$0x81] =	vst.msk $0xffff, v58  }
0x17: {  	s17 =	ssub.s32 $0x1000, s23;
	[tilespmem:s19+$0x1830 ss:$0x81] =	vst.msk $0xffff, v59;
	s25 =	simm.s32 @p1 $0x0;
	p1 =	sgt.s32 s27, $0x7F  }
0x18: {  	s29 =	sand.u32 $0x7, s10;
	[tilespmem:s19+$0x2040 ss:$0x81] =	vst.msk $0xffff, v60;
	s18 =	ssub.s32 s22, s18;
	s17 =	simm.s32 @p1 $0x0  }
0x19: {  	s21 =	sadd.s32 s3, s28;
	[tilespmem:s19+$0x2850 ss:$0x81] =	vst.msk $0xffff, v61;
	s18 =	sshll.u32 s18, $0x9;
	s17 =	smul.u32 s17, s25  }
0x1a: {  	s20 =	sshrl.u32 s20, $0x3;
	s30 =	sshll.u32 s29, $0x12;
	[tilespmem:s19+$0x3060 ss:$0x81] =	vst.msk $0xffff, v62;
	s18 =	sadd.s32 s18, s21  }
0x1b: {  	[tilespmem:s19+$0x0 ss:$0x81] =	vst.msk $0xffff, v63;
	s31 =	sor.u32 $0x400, s30;
	s18 =	sadd.s32 s20, s18;
	s17 =	sand.u32 $0x3FFFFFF8, s17  }
0x1c: {  	[hbm4b:s18+s31] =	stream.strided.scatter [tilespmem:s16], [sflag:$0x2], s17, s8, s31, $0x20;
	[tilespmem:$0x10100] =	vst v63  }
.LBB1_5:
0x1d: {  	p1 =	slt.u32 s13, $0x2  }
0x1e: {  	s17 =	smov.u32 s15;
	p2 =	sgt.s32 @!p1 s15, $0x31;
	s16 =	sshra.s32 @!p1 s15, $0x1F  }
0x1f: {  	p3 =	sgt.s32 @!p1 s14, $0xF80;
	s18 =	sshra.s32 @!p1 s14, $0x1F;
	p2 =	por !p2, p1  }
0x20: {  	s15 =	sand.u32 @!p1 s16, s15;
	p3 =	por !p3, p1;
	s16 =	smov.u32 s14  }
0x21: {  	s14 =	sand.u32 @!p1 s18, s14;
	s17 =	simm.s32 @p2 $0x31;
	s16 =	simm.s32 @p3 $0xF80  }
0x22: {  	s18 =	smov.u32 s12;
	s15 =	ssub.s32 @!p1 s17, s15;
	s14 =	ssub.s32 @!p1 s16, s14  }
0x23: {  	s16 =	sadd.s32 @!p1 $0xFFFFFFCF, s15;
	s15 =	ssub.s32 @!p1 $0x32, s15;
	s17 =	sadd.s32 @!p1 $0xFFFFF080, s14  }
0x24: {  	p2 =	sgt.s32 @!p1 s16, $0x0;
	s15 =	smul.u32 @!p1 $0x68, s15;
	p3 =	sgt.s32 @!p1 s17, $0x7F  }
0x25: {  	s14 =	ssub.s32 @!p1 $0x1000, s14;
	p2 =	por !p2, p1;
	p3 =	por !p3, p1  }
0x26: {  	s16 =	sadd.s32 $0x1, s11;
	s15 =	simm.s32 @!p2 $0x0;
	s14 =	simm.s32 @!p3 $0x0  }
0x27: {  	p2 =	sgt.s32 s16, $0x31;
	s14 =	smul.u32 @!p1 s14, s15;
	s15 =	sadd.s32 $0x1000, s12  }
0x28: {  	s18 =	smov.u32 @p2 s15  }
0x29: {  	s16 =	simm.s32 @p2 $0x0;
	p2 =	sgt.s32 s18, $0xFFF  }
0x2a: {  	s18 =	smov.u32 @p2 s2;
	p2 =	sne.s32 s13, s7  }
.Ltmp1:
0x2b: {  	p0 =	por !p0, !p0;
	s17 =	simm.s32 @!p1 $0x2;
	(pc) =	sbr.rel @!p2 .LBB1_6-.Ltmp1, $4  }
0x2c: {  	s15 =	smov.u32 s9;
	s9 =	smov.u32 s11;
	s14 =	sand.u32 @!p1 $0x3FFFFFF8, s14  }
0x2d: {  	s11 =	smov.u32 s16;
	_ =	swait.ge @!p1 [sflag:s17], s14;
	s19 =	ssub.s32 @!p1 $0x0, s14  }
0x2e: {  	s14 =	smov.u32 s10;
	s13 =	sadd.s32 $0x1, s13;
	[sflag:s17] =	ssyncset.done @!p1 $0x0  }
0x2f: {  	s10 =	smov.u32 s12;
	s12 =	smov.u32 s18;
	[sflag:s17] =	ssyncadd.s32 @!p1 s19  }
.LBB1_1:
0x30: {  	p1 =	sge.u32 s13, s5  }
0x31: {  	s16 =	sand.u32 @!p1 $0x1FFFFFF, s11  }
0x32: {  	s17 =	smulhi.u32 @!p1 $0x4924925, s16;
	_ =	sdelay $0x1  }
0x33: {  	s17 =	smul.u32 @!p1 $0x38, s17  }
0x34: {  	s18 =	sxor.u32 @!p1 $0xFFFFFFFF, s13;
	s19 =	smul.u32 @!p1 $0x380, s12  }
0x35: {  	s31 =	sadd.s32 $0xFFFFFFFF, s13;
	s18 =	sshll.u32 @!p1 s18, $0xE;
	s16 =	ssub.s32 @!p1 s16, s17  }
0x36: {  	s17 =	sand.u32 @!p1 $0x4000, s18;
	s18 =	sadd.s32 @!p1 s6, s19;
	s16 =	sshll.u32 @!p1 s16, $0x4  }
0x37: {  	s19 =	simm.s32 @!p1 $0x1C00;
	s16 =	sadd.s32 @!p1 s16, s18;
	s18 =	simm.s32 @!p1 $0x80  }
0x38: {  	[tilespmem:s17], [sflag:$0x1] =	stream.strided.gather @!p1 [hbm4b:s16+s18], $0x4000, s19, s18, $0x38;
	[tilespmem:$0x10100] =	vst v63  }
0x39: {  	p1 =	sge.u32 s31, s5  }
.Ltmp2:
0x3a: {  	_ = 	snop;
	(pc) =	sbr.rel @p1 .LBB1_5-.Ltmp2, $1  }
0x3b: {  	_ =	sdelay $0x3  }
0x3c: {  	s16 =	simm.s32 $0x1  }
0x3d: {  	_ =	swait.ge [sflag:s4], $0x4000;
	s16 =	simm.s32 @!p0 $0x0  }
0x3e: {  	[sflag:s4] =	ssyncset.done $0x0;
	s17 =	sshll.u32 s16, $0xE  }
0x3f: {  	[sflag:s4] =	ssyncadd.s32 $0xFFFFC000;
	s17 =	sor.u32 $0x40, s17  }
0x40: {  	s16 =	smul.u32 $0x10200, s16;
	v0 =	vld [tilespmem:s17+$0x30]  }
0x41: {  	v1 =	vld [tilespmem:s17+$0xFFFFFFD0]  }
0x42: {  	s16 =	sshrl.u32 s16, $0x2;
	v5 =	vld [tilespmem:s17+$0xFFFFFFE0]  }
0x43: {  	v6 =	vld [tilespmem:s17+$0xFFFFFFF0];
	s19 =	sor.u32 $0x8000, s16  }
0x44: {  	s31 =	sand.u32 $0x1, s13;
	v4 =	vld [tilespmem:s17+$0x0];
	s18 =	sadd.s32 $0x0, s19  }
0x45: {  	v3 =	vld [tilespmem:s17+$0x10];
	s16 =	smul.u32 $0x10200, s31;
	[tilespmem:s18+$0x3870 ss:$0x81] =	vst.msk $0xffff, v0  }
0x46: {  	v2 =	vld [tilespmem:s17+$0x20];
	[tilespmem:s18+$0x810 ss:$0x81] =	vst.msk $0xffff, v1  }
0x47: {  	s16 =	sshrl.u32 s16, $0x2;
	v0 =	vld [tilespmem:s17+$0xFFFFFFC0];
	[tilespmem:s18+$0x1020 ss:$0x81] =	vst.msk $0xffff, v5;
	s17 =	sadd.s32 $0x80, s17  }
0x48: {  	s20 =	simm.s32 $0x4;
	s21 =	simm.s32 $0x8;
	s16 =	sor.u32 $0x8000, s16;
	[tilespmem:s18+$0x1830 ss:$0x81] =	vst.msk $0xffff, v6;
	v1 =	vld [tilespmem:s17+$0x30]  }
.LBB1_3:
0x49: {  	p1 =	sne.s32 s21, $0x1FC;
	v5 =	vld [tilespmem:s17+$0xFFFFFFD0];
	[tilespmem:s18+$0x2040 ss:$0x81] =	vst.msk $0xffff, v4  }
0x4a: {  	v6 =	vld [tilespmem:s17+$0xFFFFFFE0];
	[tilespmem:s18+$0x2850 ss:$0x81] =	vst.msk $0xffff, v3  }
0x4b: {  	s22 =	sshra.s32 s20, $0x2;
	s20 =	smov.u32 s21;
	v7 =	vld [tilespmem:s17+$0xFFFFFFF0];
	[tilespmem:s18+$0x3060 ss:$0x81] =	vst.msk $0xffff, v2  }
.Ltmp3:
0x4c: {  	v4 =	vld [tilespmem:s17+$0x0];
	[tilespmem:s18+$0x0 ss:$0x81] =	vst.msk $0xffff, v0;
	s18 =	sadd.s32 s22, s19;
	(pc) =	sbr.rel @p1 .LBB1_3-.Ltmp3, $4  }
0x4d: {  	v3 =	vld [tilespmem:s17+$0x10];
	[tilespmem:s18+$0x3870 ss:$0x81] =	vst.msk $0xffff, v1  }
0x4e: {  	[tilespmem:s18+$0x810 ss:$0x81] =	vst.msk $0xffff, v5;
	v2 =	vld [tilespmem:s17+$0x20]  }
0x4f: {  	v0 =	vld [tilespmem:s17+$0xFFFFFFC0];
	[tilespmem:s18+$0x1020 ss:$0x81] =	vst.msk $0xffff, v6;
	s17 =	sadd.s32 $0x80, s17  }
0x50: {  	s21 =	sadd.s32 $0x4, s21;
	v1 =	vld [tilespmem:s17+$0x30];
	[tilespmem:s18+$0x1830 ss:$0x81] =	vst.msk $0xffff, v7  }
.Ltmp4:
0x51: {  	_ = 	snop;
	(pc) =	sbr.rel .LBB1_4-.Ltmp4, $1  }
0x52: {  	_ =	sdelay $0x3  }
.LBB1_6:
0x53: {  	_ =	sfence.sel $0x180000  }
0x54: {  	s2 =	simm.s32 $0x1;
	[bflag:$0x0] =	sbarrier.arrive $0xFFFF  }
0x55: {  	s31 =	simm.s32 $0x2;
	[sflag:s2] =	ssyncpa.u1 $0x1  }
0x56: {  	[sflag:s31] =	ssyncpa.u1 $0x1  }
0x57: {  	p0 =	sne.s32 s0, $0x0;
	_ =	strace $0x9000004A  }
0x58: {  	s0 =	sadd.s32 @!p0 $0x100000, s1;
	[bflag:$0x2] =	sbarrier.arrive $0xFFFF  }
0x59: {  	[sflag:s0] =	ssyncadd.tile.s32 @!p0 $0x1;
	_ =	shalt  }
.Lfunc_end1:
_tile_overlayer_lowered:
.L_overlay_start_2:
0x5a: {  	(tag) =	ssettag $0x2  }
0x5b: {  	s0 =	rddreg [dreg:$0x0];
	s2 =	stileid.u32  }
0x5c: {  	s1 =	rddreg [dreg:$0x1];
	p0 =	sne.s32 s2, $0x0  }
0x5d: {  	s3 =	rddreg [dreg:$0x2];
	[bflag:$0x3] =	sbarrier.arrive $0xFFFF;
	s2 =	simm.s32 @!p0 $0x1C01  }
0x5e: {  	[timem:s3], [sflag:s2] =	dma.local @!p0 [hbm:s0], s1  }
0x5f: {  	s0 =	simm.s32 @!p0 $0x1  }
0x60: {  	_ =	swait.ge @!p0 [sflag:s0], s1  }
0x61: {  	s1 =	ssub.s32 @!p0 $0x0, s1;
	[sflag:s0] =	ssyncset.done @!p0 $0x0  }
0x62: {  	[sflag:s0] =	ssyncadd.s32 @!p0 s1  }
0x63: {  	[bflag:$0x3] =	sbarrier.arrive $0xFFFF  }
0x64: {  	_ =	shalt  }

</sc_bundles>
